<compile_context>
chip_gen: v7x
topology: tpu7x:2x2x1
jax: 0.10.2.dev20260603
libtpu: 0.0.44.dev20260713+nightly
codegen_flags: <defaults>
</compile_context>

<pallas_src>
import functools

import jax
import jax.numpy as jnp
from jax import lax
from jax.experimental import pallas as pl
from jax.experimental.pallas import tpu as pltpu
from jax.experimental.pallas import tpu_sc as plsc


_CHUNKS = (128, 384, 384, 128)


def _make_gather(batch: int):
    info = plsc.get_sparse_core_info()
    nc, ns = 1, info.num_subcores
    nw = nc * ns
    b_per_w = batch // nw
    assert batch % nw == 0 and sum(_CHUNKS) == b_per_w
    assert all(c % 8 == 0 for c in _CHUNKS)
    n = len(_CHUNKS)
    offs = [sum(_CHUNKS[:j]) for j in range(n)]
    mesh = plsc.VectorSubcoreMesh(
        core_axis_name="c", subcore_axis_name="s", num_cores=1)

    @functools.partial(
        pl.kernel,
        mesh=mesh,
        out_type=jax.ShapeDtypeStruct((batch,), jnp.float32),
        scratch_types=[
            [pltpu.VMEM((c,), jnp.int32) for c in _CHUNKS],
            [pltpu.VMEM((c,), jnp.float32) for c in _CHUNKS],
            [pltpu.SemaphoreType.DMA] * n,
            [pltpu.SemaphoreType.DMA] * n,
            [pltpu.SemaphoreType.DMA] * n,
        ],
    )
    def gather_kernel(table_hbm, idx_hbm, out_hbm, idx_v, vals_v,
                      sem_i, sem_g, sem_o):
        wid = lax.axis_index("s") * nc + lax.axis_index("c")
        base = wid * b_per_w
        copies_i = [
            pltpu.async_copy(
                idx_hbm.at[pl.ds(base + offs[j], _CHUNKS[j])], idx_v[j],
                sem_i[j])
            for j in range(n)
        ]
        copies_g = [None] * n
        copies_o = [None] * n
        for j in range(n):
            copies_i[j].wait()
            copies_g[j] = pltpu.async_copy(
                table_hbm.at[idx_v[j]], vals_v[j], sem_g[j])
        for j in range(n):
            copies_g[j].wait()
            copies_o[j] = pltpu.async_copy(
                vals_v[j], out_hbm.at[pl.ds(base + offs[j], _CHUNKS[j])],
                sem_o[j])
        for j in range(n):
            copies_o[j].wait()

    return gather_kernel


@jax.jit
def kernel(state, rew_matrix):
    fn = _make_gather(state.shape[0])
    return fn(rew_matrix, state.astype(jnp.int32))

# --- scband reference (transcript-rebuilt; emitter-appended) ---
"""Pipeline reference for scband-discrete-reward-31439160607007 (READ-ONLY COPY).

The authoritative reference and input builder live on the scoring server;
editing this copy changes nothing except your own understanding.
"""

import jax, jax.numpy as jnp
import numpy as np

N_STATES = 1000000
BATCH = 16384

def setup_inputs(seed: int = 0) -> dict:
    key = jax.random.key(seed)
    k_idx, k_tab = jax.random.split(key)
    state = jax.random.randint(k_idx, (BATCH,), 0, N_STATES, dtype=jnp.int64 if jax.config.jax_enable_x64 else jnp.int32)
    # flax nn.initializers.uniform(scale=1.0) -> U[0, 1)
    rew_matrix = jax.random.uniform(k_tab, (N_STATES,), dtype=jnp.float32, minval=0.0, maxval=1.0)
    return {"state": state, "rew_matrix": rew_matrix}

def reference(state, rew_matrix):
    # DiscreteReward.__call__: gather rewards for given states
    return jnp.take(rew_matrix, state, axis=0)

if __name__ == "__main__":
    import jax
    _d = setup_inputs()
    print(jax.jit(kernel)(*tuple(_d.values())))

</pallas_src>

<mosaic_0001>
#map = affine_map<(d0, d1) -> (0)>
module attributes {stable_mosaic.version = 14 : i64} {
  func.func @gather_kernel(%arg0: i32, %arg1: i32, %arg2: memref<1000000xf32, #tpu.memory_space<hbm>>, %arg3: memref<16384xi32, #tpu.memory_space<hbm>>, %arg4: memref<16384xf32, #tpu.memory_space<hbm>>, %arg5: memref<128xi32, #tpu.memory_space<vmem>>, %arg6: memref<384xi32, #tpu.memory_space<vmem>>, %arg7: memref<384xi32, #tpu.memory_space<vmem>>, %arg8: memref<128xi32, #tpu.memory_space<vmem>>, %arg9: memref<128xf32, #tpu.memory_space<vmem>>, %arg10: memref<384xf32, #tpu.memory_space<vmem>>, %arg11: memref<384xf32, #tpu.memory_space<vmem>>, %arg12: memref<128xf32, #tpu.memory_space<vmem>>, %arg13: memref<!tpu.dma_semaphore, #tpu.memory_space<semaphore_mem>>, %arg14: memref<!tpu.dma_semaphore, #tpu.memory_space<semaphore_mem>>, %arg15: memref<!tpu.dma_semaphore, #tpu.memory_space<semaphore_mem>>, %arg16: memref<!tpu.dma_semaphore, #tpu.memory_space<semaphore_mem>>, %arg17: memref<!tpu.dma_semaphore, #tpu.memory_space<semaphore_mem>>, %arg18: memref<!tpu.dma_semaphore, #tpu.memory_space<semaphore_mem>>, %arg19: memref<!tpu.dma_semaphore, #tpu.memory_space<semaphore_mem>>, %arg20: memref<!tpu.dma_semaphore, #tpu.memory_space<semaphore_mem>>, %arg21: memref<!tpu.dma_semaphore, #tpu.memory_space<semaphore_mem>>, %arg22: memref<!tpu.dma_semaphore, #tpu.memory_space<semaphore_mem>>, %arg23: memref<!tpu.dma_semaphore, #tpu.memory_space<semaphore_mem>>, %arg24: memref<!tpu.dma_semaphore, #tpu.memory_space<semaphore_mem>>) attributes {dimension_semantics = [#tpu.dimension_semantics<core_parallel>, #tpu.dimension_semantics<subcore_parallel>], iteration_bounds = array<i64: 1, 16>, scalar_prefetch = 0 : i64, scratch_operands = 20 : i64, tpu.core_type = #tpu.core_type<sc_vector_subcore>, window_params = [{transform_indices = #map}, {transform_indices = #map}, {transform_indices = #map}]} {
    %mul3A = arith.constant 1 : i32
    %mul3A_0 = arith.muli %arg1, %mul3A : i32
    %add3A = arith.addi %mul3A_0, %arg0 : i32
    %mul3A_1 = arith.constant 1024 : i32
    %mul3A_2 = arith.muli %add3A, %mul3A_1 : i32
    %add3A_3 = arith.constant 0 : i32
    %add3A_4 = arith.addi %mul3A_2, %add3A_3 : i32
    %dma_start3A = tpu.memref_slice %arg3[%add3A_4] : memref<16384xi32, #tpu.memory_space<hbm>> -> memref<128xi32, #tpu.memory_space<hbm>>
    %dma_start3A_5 = tpu.memref_slice %arg3[%add3A_4] : memref<16384xi32, #tpu.memory_space<hbm>> -> memref<128xi32, #tpu.memory_space<hbm>>
    tpu.enqueue_dma source(%dma_start3A_5 : memref<128xi32, #tpu.memory_space<hbm>>) target(%arg5 : memref<128xi32, #tpu.memory_space<vmem>>) target_semaphore(%arg13 : memref<!tpu.dma_semaphore, #tpu.memory_space<semaphore_mem>>)
    %add3A_6 = arith.constant 128 : i32
    %add3A_7 = arith.addi %mul3A_2, %add3A_6 : i32
    %dma_start3A_8 = tpu.memref_slice %arg3[%add3A_7] : memref<16384xi32, #tpu.memory_space<hbm>> -> memref<384xi32, #tpu.memory_space<hbm>>
    %dma_start3A_9 = tpu.memref_slice %arg3[%add3A_7] : memref<16384xi32, #tpu.memory_space<hbm>> -> memref<384xi32, #tpu.memory_space<hbm>>
    tpu.enqueue_dma source(%dma_start3A_9 : memref<384xi32, #tpu.memory_space<hbm>>) target(%arg6 : memref<384xi32, #tpu.memory_space<vmem>>) target_semaphore(%arg14 : memref<!tpu.dma_semaphore, #tpu.memory_space<semaphore_mem>>)
    %add3A_10 = arith.constant 512 : i32
    %add3A_11 = arith.addi %mul3A_2, %add3A_10 : i32
    %dma_start3A_12 = tpu.memref_slice %arg3[%add3A_11] : memref<16384xi32, #tpu.memory_space<hbm>> -> memref<384xi32, #tpu.memory_space<hbm>>
    %dma_start3A_13 = tpu.memref_slice %arg3[%add3A_11] : memref<16384xi32, #tpu.memory_space<hbm>> -> memref<384xi32, #tpu.memory_space<hbm>>
    tpu.enqueue_dma source(%dma_start3A_13 : memref<384xi32, #tpu.memory_space<hbm>>) target(%arg7 : memref<384xi32, #tpu.memory_space<vmem>>) target_semaphore(%arg15 : memref<!tpu.dma_semaphore, #tpu.memory_space<semaphore_mem>>)
    %add3A_14 = arith.constant 896 : i32
    %add3A_15 = arith.addi %mul3A_2, %add3A_14 : i32
    %dma_start3A_16 = tpu.memref_slice %arg3[%add3A_15] : memref<16384xi32, #tpu.memory_space<hbm>> -> memref<128xi32, #tpu.memory_space<hbm>>
    %dma_start3A_17 = tpu.memref_slice %arg3[%add3A_15] : memref<16384xi32, #tpu.memory_space<hbm>> -> memref<128xi32, #tpu.memory_space<hbm>>
    tpu.enqueue_dma source(%dma_start3A_17 : memref<128xi32, #tpu.memory_space<hbm>>) target(%arg8 : memref<128xi32, #tpu.memory_space<vmem>>) target_semaphore(%arg16 : memref<!tpu.dma_semaphore, #tpu.memory_space<semaphore_mem>>)
    %dma_wait3A = tpu.memref_slice %arg3[%add3A_4] : memref<16384xi32, #tpu.memory_space<hbm>> -> memref<128xi32, #tpu.memory_space<hbm>>
    %dma_wait3A_18 = tpu.memref_slice %arg3[%add3A_4] : memref<16384xi32, #tpu.memory_space<hbm>> -> memref<128xi32, #tpu.memory_space<hbm>>
    tpu.wait_dma2 semaphore(%arg13 : memref<!tpu.dma_semaphore, #tpu.memory_space<semaphore_mem>>) src(%dma_wait3A_18 : memref<128xi32, #tpu.memory_space<hbm>>) dst(%arg5 : memref<128xi32, #tpu.memory_space<vmem>>)
    %dma_start3A_19 = arith.constant 0 : i32
    %dma_start3A_20 = tpu.memref_slice %arg2[%dma_start3A_19] : memref<1000000xf32, #tpu.memory_space<hbm>> -> memref<1000000xf32, #tpu.memory_space<hbm>>
    tpu.enqueue_indirect_dma source(%dma_start3A_20 : memref<1000000xf32, #tpu.memory_space<hbm>>) target(%arg9 : memref<128xf32, #tpu.memory_space<vmem>>) offsets(%arg5 : memref<128xi32, #tpu.memory_space<vmem>>) semaphore(%arg17 : memref<!tpu.dma_semaphore, #tpu.memory_space<semaphore_mem>>)
    %dma_wait3A_21 = tpu.memref_slice %arg3[%add3A_7] : memref<16384xi32, #tpu.memory_space<hbm>> -> memref<384xi32, #tpu.memory_space<hbm>>
    %dma_wait3A_22 = tpu.memref_slice %arg3[%add3A_7] : memref<16384xi32, #tpu.memory_space<hbm>> -> memref<384xi32, #tpu.memory_space<hbm>>
    tpu.wait_dma2 semaphore(%arg14 : memref<!tpu.dma_semaphore, #tpu.memory_space<semaphore_mem>>) src(%dma_wait3A_22 : memref<384xi32, #tpu.memory_space<hbm>>) dst(%arg6 : memref<384xi32, #tpu.memory_space<vmem>>)
    %dma_start3A_23 = arith.constant 0 : i32
    %dma_start3A_24 = tpu.memref_slice %arg2[%dma_start3A_23] : memref<1000000xf32, #tpu.memory_space<hbm>> -> memref<1000000xf32, #tpu.memory_space<hbm>>
    tpu.enqueue_indirect_dma source(%dma_start3A_24 : memref<1000000xf32, #tpu.memory_space<hbm>>) target(%arg10 : memref<384xf32, #tpu.memory_space<vmem>>) offsets(%arg6 : memref<384xi32, #tpu.memory_space<vmem>>) semaphore(%arg18 : memref<!tpu.dma_semaphore, #tpu.memory_space<semaphore_mem>>)
    %dma_wait3A_25 = tpu.memref_slice %arg3[%add3A_11] : memref<16384xi32, #tpu.memory_space<hbm>> -> memref<384xi32, #tpu.memory_space<hbm>>
    %dma_wait3A_26 = tpu.memref_slice %arg3[%add3A_11] : memref<16384xi32, #tpu.memory_space<hbm>> -> memref<384xi32, #tpu.memory_space<hbm>>
    tpu.wait_dma2 semaphore(%arg15 : memref<!tpu.dma_semaphore, #tpu.memory_space<semaphore_mem>>) src(%dma_wait3A_26 : memref<384xi32, #tpu.memory_space<hbm>>) dst(%arg7 : memref<384xi32, #tpu.memory_space<vmem>>)
    %dma_start3A_27 = arith.constant 0 : i32
    %dma_start3A_28 = tpu.memref_slice %arg2[%dma_start3A_27] : memref<1000000xf32, #tpu.memory_space<hbm>> -> memref<1000000xf32, #tpu.memory_space<hbm>>
    tpu.enqueue_indirect_dma source(%dma_start3A_28 : memref<1000000xf32, #tpu.memory_space<hbm>>) target(%arg11 : memref<384xf32, #tpu.memory_space<vmem>>) offsets(%arg7 : memref<384xi32, #tpu.memory_space<vmem>>) semaphore(%arg19 : memref<!tpu.dma_semaphore, #tpu.memory_space<semaphore_mem>>)
    %dma_wait3A_29 = tpu.memref_slice %arg3[%add3A_15] : memref<16384xi32, #tpu.memory_space<hbm>> -> memref<128xi32, #tpu.memory_space<hbm>>
    %dma_wait3A_30 = tpu.memref_slice %arg3[%add3A_15] : memref<16384xi32, #tpu.memory_space<hbm>> -> memref<128xi32, #tpu.memory_space<hbm>>
    tpu.wait_dma2 semaphore(%arg16 : memref<!tpu.dma_semaphore, #tpu.memory_space<semaphore_mem>>) src(%dma_wait3A_30 : memref<128xi32, #tpu.memory_space<hbm>>) dst(%arg8 : memref<128xi32, #tpu.memory_space<vmem>>)
    %dma_start3A_31 = arith.constant 0 : i32
    %dma_start3A_32 = tpu.memref_slice %arg2[%dma_start3A_31] : memref<1000000xf32, #tpu.memory_space<hbm>> -> memref<1000000xf32, #tpu.memory_space<hbm>>
    tpu.enqueue_indirect_dma source(%dma_start3A_32 : memref<1000000xf32, #tpu.memory_space<hbm>>) target(%arg12 : memref<128xf32, #tpu.memory_space<vmem>>) offsets(%arg8 : memref<128xi32, #tpu.memory_space<vmem>>) semaphore(%arg20 : memref<!tpu.dma_semaphore, #tpu.memory_space<semaphore_mem>>)
    %dma_wait3A_33 = arith.constant 0 : i32
    %dma_wait3A_34 = tpu.memref_slice %arg2[%dma_wait3A_33] : memref<1000000xf32, #tpu.memory_space<hbm>> -> memref<1000000xf32, #tpu.memory_space<hbm>>
    tpu.wait_indirect_dma semaphore(%arg17 : memref<!tpu.dma_semaphore, #tpu.memory_space<semaphore_mem>>) src(%dma_wait3A_34 : memref<1000000xf32, #tpu.memory_space<hbm>>) dst(%arg9 : memref<128xf32, #tpu.memory_space<vmem>>)
    %add3A_35 = arith.constant 0 : i32
    %add3A_36 = arith.addi %mul3A_2, %add3A_35 : i32
    %dma_start3A_37 = tpu.memref_slice %arg4[%add3A_36] : memref<16384xf32, #tpu.memory_space<hbm>> -> memref<128xf32, #tpu.memory_space<hbm>>
    %dma_start3A_38 = tpu.memref_slice %arg4[%add3A_36] : memref<16384xf32, #tpu.memory_space<hbm>> -> memref<128xf32, #tpu.memory_space<hbm>>
    tpu.enqueue_dma source(%arg9 : memref<128xf32, #tpu.memory_space<vmem>>) target(%dma_start3A_38 : memref<128xf32, #tpu.memory_space<hbm>>) target_semaphore(%arg21 : memref<!tpu.dma_semaphore, #tpu.memory_space<semaphore_mem>>)
    %dma_wait3A_39 = arith.constant 0 : i32
    %dma_wait3A_40 = tpu.memref_slice %arg2[%dma_wait3A_39] : memref<1000000xf32, #tpu.memory_space<hbm>> -> memref<1000000xf32, #tpu.memory_space<hbm>>
    tpu.wait_indirect_dma semaphore(%arg18 : memref<!tpu.dma_semaphore, #tpu.memory_space<semaphore_mem>>) src(%dma_wait3A_40 : memref<1000000xf32, #tpu.memory_space<hbm>>) dst(%arg10 : memref<384xf32, #tpu.memory_space<vmem>>)
    %add3A_41 = arith.constant 128 : i32
    %add3A_42 = arith.addi %mul3A_2, %add3A_41 : i32
    %dma_start3A_43 = tpu.memref_slice %arg4[%add3A_42] : memref<16384xf32, #tpu.memory_space<hbm>> -> memref<384xf32, #tpu.memory_space<hbm>>
    %dma_start3A_44 = tpu.memref_slice %arg4[%add3A_42] : memref<16384xf32, #tpu.memory_space<hbm>> -> memref<384xf32, #tpu.memory_space<hbm>>
    tpu.enqueue_dma source(%arg10 : memref<384xf32, #tpu.memory_space<vmem>>) target(%dma_start3A_44 : memref<384xf32, #tpu.memory_space<hbm>>) target_semaphore(%arg22 : memref<!tpu.dma_semaphore, #tpu.memory_space<semaphore_mem>>)
    %dma_wait3A_45 = arith.constant 0 : i32
    %dma_wait3A_46 = tpu.memref_slice %arg2[%dma_wait3A_45] : memref<1000000xf32, #tpu.memory_space<hbm>> -> memref<1000000xf32, #tpu.memory_space<hbm>>
    tpu.wait_indirect_dma semaphore(%arg19 : memref<!tpu.dma_semaphore, #tpu.memory_space<semaphore_mem>>) src(%dma_wait3A_46 : memref<1000000xf32, #tpu.memory_space<hbm>>) dst(%arg11 : memref<384xf32, #tpu.memory_space<vmem>>)
    %add3A_47 = arith.constant 512 : i32
    %add3A_48 = arith.addi %mul3A_2, %add3A_47 : i32
    %dma_start3A_49 = tpu.memref_slice %arg4[%add3A_48] : memref<16384xf32, #tpu.memory_space<hbm>> -> memref<384xf32, #tpu.memory_space<hbm>>
    %dma_start3A_50 = tpu.memref_slice %arg4[%add3A_48] : memref<16384xf32, #tpu.memory_space<hbm>> -> memref<384xf32, #tpu.memory_space<hbm>>
    tpu.enqueue_dma source(%arg11 : memref<384xf32, #tpu.memory_space<vmem>>) target(%dma_start3A_50 : memref<384xf32, #tpu.memory_space<hbm>>) target_semaphore(%arg23 : memref<!tpu.dma_semaphore, #tpu.memory_space<semaphore_mem>>)
    %dma_wait3A_51 = arith.constant 0 : i32
    %dma_wait3A_52 = tpu.memref_slice %arg2[%dma_wait3A_51] : memref<1000000xf32, #tpu.memory_space<hbm>> -> memref<1000000xf32, #tpu.memory_space<hbm>>
    tpu.wait_indirect_dma semaphore(%arg20 : memref<!tpu.dma_semaphore, #tpu.memory_space<semaphore_mem>>) src(%dma_wait3A_52 : memref<1000000xf32, #tpu.memory_space<hbm>>) dst(%arg12 : memref<128xf32, #tpu.memory_space<vmem>>)
    %add3A_53 = arith.constant 896 : i32
    %add3A_54 = arith.addi %mul3A_2, %add3A_53 : i32
    %dma_start3A_55 = tpu.memref_slice %arg4[%add3A_54] : memref<16384xf32, #tpu.memory_space<hbm>> -> memref<128xf32, #tpu.memory_space<hbm>>
    %dma_start3A_56 = tpu.memref_slice %arg4[%add3A_54] : memref<16384xf32, #tpu.memory_space<hbm>> -> memref<128xf32, #tpu.memory_space<hbm>>
    tpu.enqueue_dma source(%arg12 : memref<128xf32, #tpu.memory_space<vmem>>) target(%dma_start3A_56 : memref<128xf32, #tpu.memory_space<hbm>>) target_semaphore(%arg24 : memref<!tpu.dma_semaphore, #tpu.memory_space<semaphore_mem>>)
    %dma_wait3A_57 = tpu.memref_slice %arg4[%add3A_36] : memref<16384xf32, #tpu.memory_space<hbm>> -> memref<128xf32, #tpu.memory_space<hbm>>
    %dma_wait3A_58 = tpu.memref_slice %arg4[%add3A_36] : memref<16384xf32, #tpu.memory_space<hbm>> -> memref<128xf32, #tpu.memory_space<hbm>>
    tpu.wait_dma2 semaphore(%arg21 : memref<!tpu.dma_semaphore, #tpu.memory_space<semaphore_mem>>) src(%arg9 : memref<128xf32, #tpu.memory_space<vmem>>) dst(%dma_wait3A_58 : memref<128xf32, #tpu.memory_space<hbm>>)
    %dma_wait3A_59 = tpu.memref_slice %arg4[%add3A_42] : memref<16384xf32, #tpu.memory_space<hbm>> -> memref<384xf32, #tpu.memory_space<hbm>>
    %dma_wait3A_60 = tpu.memref_slice %arg4[%add3A_42] : memref<16384xf32, #tpu.memory_space<hbm>> -> memref<384xf32, #tpu.memory_space<hbm>>
    tpu.wait_dma2 semaphore(%arg22 : memref<!tpu.dma_semaphore, #tpu.memory_space<semaphore_mem>>) src(%arg10 : memref<384xf32, #tpu.memory_space<vmem>>) dst(%dma_wait3A_60 : memref<384xf32, #tpu.memory_space<hbm>>)
    %dma_wait3A_61 = tpu.memref_slice %arg4[%add3A_48] : memref<16384xf32, #tpu.memory_space<hbm>> -> memref<384xf32, #tpu.memory_space<hbm>>
    %dma_wait3A_62 = tpu.memref_slice %arg4[%add3A_48] : memref<16384xf32, #tpu.memory_space<hbm>> -> memref<384xf32, #tpu.memory_space<hbm>>
    tpu.wait_dma2 semaphore(%arg23 : memref<!tpu.dma_semaphore, #tpu.memory_space<semaphore_mem>>) src(%arg11 : memref<384xf32, #tpu.memory_space<vmem>>) dst(%dma_wait3A_62 : memref<384xf32, #tpu.memory_space<hbm>>)
    %dma_wait3A_63 = tpu.memref_slice %arg4[%add3A_54] : memref<16384xf32, #tpu.memory_space<hbm>> -> memref<128xf32, #tpu.memory_space<hbm>>
    %dma_wait3A_64 = tpu.memref_slice %arg4[%add3A_54] : memref<16384xf32, #tpu.memory_space<hbm>> -> memref<128xf32, #tpu.memory_space<hbm>>
    tpu.wait_dma2 semaphore(%arg24 : memref<!tpu.dma_semaphore, #tpu.memory_space<semaphore_mem>>) src(%arg12 : memref<128xf32, #tpu.memory_space<vmem>>) dst(%dma_wait3A_64 : memref<128xf32, #tpu.memory_space<hbm>>)
    return
  }
}

</mosaic_0001>

<sc_bundles>
// kernel: kernel.3.cloned.1.call-start
scs
__scs_entry_jumppad:
0x0: {  	(pc) =	sbr.rel $0x88, $3  }
0x1: {  	(tag) =	ssettag $0x0;
	lr =	simm.s32 $0x1  }
0x2: {  	[smem:$0x3F9F] =	sst lr;
	_ =	strace $0xD0000000  }
0x3: {  	_ = 	snop  }
0x4: {  	_ = 	snop  }
0x5: {  	_ = 	snop  }
0x6: {  	_ = 	snop  }
0x7: {  	_ = 	snop  }
__scs_overlays_trampoline_lowered:
0x8: {  	[smem:$0x3FAE] =	sst s0  }
0x9: {  	[smem:$0x3FAF] =	sst s1  }
0xa: {  	[smem:$0x3FB0] =	sst s2  }
0xb: {  	[smem:$0x3FB1] =	sst s3  }
0xc: {  	[smem:$0x3FB2] =	sst s4  }
0xd: {  	[smem:$0x3FB3] =	sst s5  }
0xe: {  	[smem:$0x3FB4] =	sst s6  }
0xf: {  	[smem:$0x3FB5] =	sst s7  }
0x10: {  	[smem:$0x3FB6] =	sst s8  }
0x11: {  	[smem:$0x3FB7] =	sst s9;
	s0 =	simm.s32 @!p0 $0x0  }
0x12: {  	s1 =	sld [smem:$0x3F9D];
	s0 =	simm.s32 @p0 $0x1  }
0x13: {  	[smem:$0x3FB8] =	sst s0;
	s0 =	simm.s32 @!p1 $0x0  }
0x14: {  	s2 =	sld [smem:$0x3F9C];
	s0 =	simm.s32 @p1 $0x1  }
0x15: {  	[smem:$0x3FB9] =	sst s0;
	s0 =	simm.s32 @!p2 $0x0  }
0x16: {  	s3 =	sld [smem:$0x3FDB];
	s0 =	simm.s32 @p2 $0x1  }
0x17: {  	s4 =	simm.s32 $0x1BF5;
	[smem:$0x3FBB] =	sst s0  }
0x18: {  	s0 =	sld [smem:$0x3F9E];
	_ =	swait.ge [sflag:s4], $0x0  }
0x19: {  	s7 =	sld [smem:$0x3F9F]  }
0x1a: {  	s8 =	sadd.s32 $0xFFFFE003, lr  }
0x1b: {  	s9 =	sadd.s32 $0xFFFFFEF7, lr;
	s5 =	simm.s32 $0xFFFFFFFF;
	p2 =	slt.u32 s8, $0xFFFFF086  }
0x1c: {  	p1 =	slt.u32 s9, $0xF7A;
	s5 =	simm.s32 @!p2 $0x0  }
0x1d: {  	s5 =	simm.s32 @p1 $0x1;
	p0 =	seq.s32 s7, s2  }
0x1e: {  	s7 =	smul.u32 @!p0 $0xF7A, s2;
	p2 =	seq.s32 @!p0 s5, $0x0  }
0x1f: {  	s9 =	smul.u32 $0xF7A, s1;
	s8 =	simm.s32 @!p0 $0x1BF5;
	p2 =	por !p2, p0  }
0x20: {  	[sflag:s8] =	ssyncset.s32 @!p0 $0xFFFFF086;
	s6 =	sadd.s32 @!p0 s3, s7;
	s7 =	simm.s32 @!p0 $0x108  }
0x21: {  	s3 =	sadd.s32 s3, s9;
	s6 =	sadd.s32 @!p0 $0x88, s6;
	s7 =	simm.s32 @p2 $0x1082  }
0x22: {  	[simem:s7], [sflag:s8] =	dma.local @!p0 [hbm:s6], $0xF7A  }
0x23: {  	s9 =	sor.u32 $0xD0000000, s2;
	s6 =	simm.s32 $0x108;
	_ =	swait.ge @!p0 [sflag:s8], $0x0  }
0x24: {  	s3 =	sadd.s32 $0x88, s3;
	s6 =	simm.s32 @!p1 $0x1082;
	[sflag:s4] =	ssyncset.s32 $0xFFFFF086  }
0x25: {  	[simem:s6], [sflag:s4] =	dma.local [hbm:s3], $0xF7A  }
0x26: {  	[smem:$0x3F9F] =	sst s1;
	(tag) =	ssettag s2;
	_ =	strace s9  }
0x27: {  	s1 =	sld [smem:$0x3FAF]  }
0x28: {  	s2 =	sld [smem:$0x3FB0]  }
0x29: {  	s4 =	sld [smem:$0x3FB2]  }
0x2a: {  	p0 =	seq.s32 s5, $0x0;
	s5 =	sld [smem:$0x3FB3]  }
0x2b: {  	s6 =	sld [smem:$0x3FB4]  }
0x2c: {  	s7 =	sld [smem:$0x3FB5]  }
0x2d: {  	s3 =	simm.s32 $0x108;
	s8 =	sld [smem:$0x3FB6]  }
0x2e: {  	s3 =	simm.s32 @!p0 $0x1082;
	s9 =	sld [smem:$0x3FB7]  }
0x2f: {  	lr =	sadd.s32 s0, s3;
	s0 =	sld [smem:$0x3FAE]  }
0x30: {  	s3 =	sld [smem:$0x3FB1]  }
0x31: {  	[smem:$0x3FBA] =	sst s10  }
0x32: {  	s10 =	sld [smem:$0x3FB8];
	_ =	sdelay $0x3  }
0x33: {  	p0 =	seq.s32 s10, $0x1;
	s10 =	sld [smem:$0x3FBA];
	_ =	sdelay $0x3  }
0x34: {  	[smem:$0x3FBA] =	sst s10  }
0x35: {  	s10 =	sld [smem:$0x3FB9];
	_ =	sdelay $0x3  }
0x36: {  	p1 =	seq.s32 s10, $0x1;
	s10 =	sld [smem:$0x3FBA];
	_ =	sdelay $0x3  }
0x37: {  	[smem:$0x3FBA] =	sst s10  }
0x38: {  	s10 =	sld [smem:$0x3FBB]  }
0x39: {  	_ = 	snop;
	(pc) =	sbr.ind lr, $3  }
0x3a: {  	_ = 	snop  }
0x3b: {  	_ = 	snop  }
0x3c: {  	p2 =	seq.s32 s10, $0x1;
	s10 =	sld [smem:$0x3FBA]  }
0x3d: {  	_ =	shalt  }
0x3e: {  	_ =	shalt  }
0x3f: {  	_ =	shalt  }
0x40: {  	_ =	shalt  }
0x41: {  	_ =	shalt  }
0x42: {  	_ =	shalt  }
0x43: {  	_ =	shalt  }
0x44: {  	_ =	shalt  }
0x45: {  	_ =	shalt  }
0x46: {  	_ =	shalt  }
0x47: {  	_ =	shalt  }
0x48: {  	_ =	shalt  }
0x49: {  	_ =	shalt  }
0x4a: {  	_ =	shalt  }
0x4b: {  	_ =	shalt  }
0x4c: {  	_ =	shalt  }
0x4d: {  	_ =	shalt  }
0x4e: {  	_ =	shalt  }
0x4f: {  	_ =	shalt  }
0x50: {  	_ =	shalt  }
0x51: {  	_ =	shalt  }
0x52: {  	_ =	shalt  }
0x53: {  	_ =	shalt  }
0x54: {  	_ =	shalt  }
0x55: {  	_ =	shalt  }
0x56: {  	_ =	shalt  }
0x57: {  	_ =	shalt  }
0x58: {  	_ =	shalt  }
0x59: {  	_ =	shalt  }
0x5a: {  	_ =	shalt  }
0x5b: {  	_ =	shalt  }
0x5c: {  	_ =	shalt  }
0x5d: {  	_ =	shalt  }
0x5e: {  	_ =	shalt  }
0x5f: {  	_ =	shalt  }
0x60: {  	_ =	shalt  }
0x61: {  	_ =	shalt  }
0x62: {  	_ =	shalt  }
0x63: {  	_ =	shalt  }
0x64: {  	_ =	shalt  }
0x65: {  	_ =	shalt  }
0x66: {  	_ =	shalt  }
0x67: {  	_ =	shalt  }
0x68: {  	_ =	shalt  }
0x69: {  	_ =	shalt  }
0x6a: {  	_ =	shalt  }
0x6b: {  	_ =	shalt  }
0x6c: {  	_ =	shalt  }
0x6d: {  	_ =	shalt  }
0x6e: {  	_ =	shalt  }
0x6f: {  	_ =	shalt  }
0x70: {  	_ =	shalt  }
0x71: {  	_ =	shalt  }
0x72: {  	_ =	shalt  }
0x73: {  	_ =	shalt  }
0x74: {  	_ =	shalt  }
0x75: {  	_ =	shalt  }
0x76: {  	_ =	shalt  }
0x77: {  	_ =	shalt  }
0x78: {  	_ =	shalt  }
0x79: {  	_ =	shalt  }
0x7a: {  	_ =	shalt  }
0x7b: {  	_ =	shalt  }
0x7c: {  	_ =	shalt  }
0x7d: {  	_ =	shalt  }
0x7e: {  	_ =	shalt  }
0x7f: {  	_ =	shalt  }
0x80: {  	_ =	shalt  }
0x81: {  	_ =	shalt  }
0x82: {  	_ =	shalt  }
0x83: {  	_ =	shalt  }
0x84: {  	_ =	shalt  }
0x85: {  	_ =	shalt  }
0x86: {  	_ =	shalt  }
0x87: {  	_ =	shalt  }
.Lfunc_end0:
.L_simem_size_0:
called_computation_lowered:
.L_overlay_start_0:
0x88: {  	s0 =	sld [smem:$0x3FD9]  }
0x89: {  	s1 =	sld [smem:$0x3FFE];
	_ =	sdelay $0x3  }
0x8a: {  	s0 =	sadd.s32 s1, s0  }
0x8b: {  	[smem:$0x3FC6] =	sst s0  }
0x8c: {  	_ = 	snop  }
0x8d: {  	s0 =	sld [smem:$0x3FC9]  }
0x8e: {  	s17 =	sld [smem:$0x3FC8]  }
0x8f: {  	s2 =	sld [smem:$0x3FD0];
	(tm) =	ssettm $0x1  }
0x90: {  	s3 =	sld [smem:$0x3FFB];
	_ =	sdelay $0x3  }
0x91: {  	_ =	strace s3  }
0x92: {  	s3 =	sld [smem:$0x3FFC];
	_ =	sdelay $0x3  }
0x93: {  	_ =	strace s3  }
0x94: {  	s3 =	sld [smem:$0x3FFD];
	_ =	sdelay $0x3  }
0x95: {  	_ =	strace s3  }
0x96: {  	_ =	strace $0x8FFFFFFF  }
0x97: {  	s18 =	sld [smem:$0x3FDB];
	_ =	sdelay $0x1  }
0x98: {  	s4 =	simm.s32 $_scs_section_size  }
0x99: {  	s5 =	simm.s32 $_size__tile_overlayer_lowered;
	s6 =	simm.s32 $_tile_overlayer_lowered  }
0x9a: {  	s21 =	simm.s32 $0x1BFF;
	s20 =	sshll.u32 s6, $0x1;
	s3 =	sadd.s32 s4, s18  }
0x9b: {  	s7 =	simm.s32 $0x0;
	s19 =	sshll.u32 s5, $0x1;
	s5 =	sadd.s32 s20, s3  }
0x9c: {  	[timem:s7], [sflag:s21] =	dma.local [hbm:s5], s19  }
0x9d: {  	_ =	swait.ge [sflag:s21], s19  }
0x9e: {  	s4 =	ssub.s32 $0x0, s19;
	[sflag:s21] =	ssyncset.done $0x0  }
0x9f: {  	[sflag:s21] =	ssyncadd.s32 s4;
	_ =	sdelay $0x1  }
0xa0: {  	s22 =	simm.s32 $0x1B8B  }
0xa1: {  	_ =	swait.ge [sflag:s22], $0x1  }
0xa2: {  	[sflag:s22] =	ssyncset.done $0x0  }
0xa3: {  	s23 =	simm.s32 $0x1B8E;
	[sflag:s22] =	ssyncadd.s32 $0xFFFFFFFF  }
0xa4: {  	s24 =	simm.s32 $execute0_lowered;
	[smem:$0x3FD2] =	sst s23  }
0xa5: {  	s4 =	sshll.u32 s24, $0x1;
	_ =	strace $0x80000046;
	[dreg:$0x1] =	wrdreg $0xFFFFFFFF  }
0xa6: {  	s25 =	simm.s32 $_size_execute0_lowered;
	s3 =	sadd.s32 s3, s4;
	[dreg:$0x0] =	wrdreg $0x0  }
0xa7: {  	s4 =	sshll.u32 s25, $0x1;
	[dreg:$0x2] =	wrdreg s3  }
0xa8: {  	[dreg:$0x3] =	wrdreg s4  }
0xa9: {  	[dreg:$0x4] =	wrdreg $0xC0  }
0xaa: {  	_ =	task [dreg:s7], $0x5FFFF  }
0xab: {  	[dreg:$0x1] =	wrdreg $0xFFFFFFFF  }
0xac: {  	[dreg:$0x0] =	wrdreg $0x60  }
0xad: {  	[dreg:$0x2] =	wrdreg s17  }
0xae: {  	[dreg:$0x3] =	wrdreg s0  }
0xaf: {  	[dreg:$0x4] =	wrdreg s2  }
0xb0: {  	[dreg:$0x5] =	wrdreg $0x9  }
0xb1: {  	_ =	task.clear_ibuf [dreg:s7], $0x6FFFF;
	_ =	strace $0x90000046  }
0xb2: {  	s26 =	simm.s32 $0x9;
	_ =	strace $0x80000048  }
0xb3: {  	_ =	swait.ge [sflag:s26], $0x1  }
0xb4: {  	[sflag:s26] =	ssyncadd.s32 $0xFFFFFFFF  }
0xb5: {  	_ =	strace $0x90000048  }
0xb6: {  	_ =	sfence  }
0xb7: {  	s28 =	sld [smem:$0x0];
	_ =	sdelay $0x1  }
0xb8: {  	s29 =	srdreg.scid  }
0xb9: {  	s30 =	sshll.u32 s29, $0xD;
	s31 =	sshrl.u32 s29, $0x2  }
0xba: {  	s1 =	sand.u32 $0x1, s29;
	s2 =	sand.u32 $0x4000, s30;
	s0 =	sadd.s32 s31, s28  }
0xbb: {  	s1 =	sor.u32 s2, s1;
	s0 =	sshll.u32 s0, $0x11  }
0xbc: {  	s0 =	sor.u32 s0, s1  }
0xbd: {  	s0 =	sadd.s32 $0x8F2B, s0  }
0xbe: {  	[sflag:s0] =	ssyncadd.remote.s32 $0x1  }
0xbf: {  	_ =	sfence.sel $0xFFFF  }
0xc0: {  	[dreg:$0x0] =	wrdreg $0xFFFFFFFF;
	(pc) =	sbr.abs _section_cstart, $3  }
0xc1: {  	[dreg:$0x1] =	wrdreg $0xFFFFFFFF  }
0xc2: {  	_ =	task.clear_ibuf [dreg:s7], $0x2FFFF;
	_ =	strace $0x9FFFFFFF  }
0xc3: {  	(tm) =	ssettm $0x7FFFFFFF  }
tec
execute0_lowered:
.L_overlay_start_1:
0x0: {  	(tag) =	ssettag $0x1  }
0x1: {  	s4 =	rddreg [dreg:$0x0]  }
0x2: {  	s5 =	rddreg [dreg:$0x1]  }
0x3: {  	s2 =	rddreg [dreg:$0x2]  }
0x4: {  	s0 =	rddreg [dreg:$0x3];
	s3 =	simm.s32 $0x0;
	s1 =	stileid.u32  }
0x5: {  	[smem:$0x7FF] =	sst s3;
	s6 =	sshll.u32 s1, $0x7  }
0x6: {  	_ =	strace $0x80000047;
	s7 =	sadd.s32 s5, s6;
	s8 =	sor.u32 $0x10, s6  }
0x7: {  	[tilespmem:s3], [sflag:$0x1] =	stream.linear.gather [hbm4b:s7+s3], $0x80, $0x38;
	[tilespmem:$0x800] =	vst v63  }
0x8: {  	s10 =	simm.s32 $0x80;
	s9 =	sor.u32 $0x40, s6;
	s29 =	sadd.s32 s5, s8  }
0x9: {  	[tilespmem:s10], [sflag:$0x2] =	stream.linear.gather [hbm4b:s29+s3], $0x180, $0x38;
	[tilespmem:$0x800] =	vst v63  }
0xa: {  	s12 =	simm.s32 $0x200;
	s11 =	sor.u32 $0x70, s6;
	s30 =	sadd.s32 s5, s9  }
0xb: {  	[tilespmem:s12], [sflag:$0x3] =	stream.linear.gather [hbm4b:s30+s3], $0x180, $0x38;
	[tilespmem:$0x800] =	vst v63  }
0xc: {  	s31 =	simm.s32 $0x380;
	s15 =	simm.s32 $0x1;
	s5 =	sadd.s32 s5, s11  }
0xd: {  	[tilespmem:s31], [sflag:$0x4] =	stream.linear.gather [hbm4b:s5+s3], $0x80, $0x38;
	[tilespmem:$0x800] =	vst v63  }
0xe: {  	_ =	swait.ge [sflag:s15], $0x80  }
0xf: {  	[sflag:s15] =	ssyncset.done $0x0  }
0x10: {  	s16 =	simm.s32 $0x400;
	s13 =	simm.s32 $0x2;
	[sflag:s15] =	ssyncadd.s32 $0xFFFFFF80  }
0x11: {  	[tilespmem:s16], [sflag:$0x5] =	stream.indirect.gather [hbm4b:s4+s10], $0x1, s3, s10, $0xb8;
	[tilespmem:$0x800] =	vst v63  }
0x12: {  	_ =	swait.ge [sflag:s13], $0x180  }
0x13: {  	s17 =	simm.s32 $0x180;
	[sflag:s13] =	ssyncset.done $0x0  }
0x14: {  	s14 =	simm.s32 $0x480;
	s15 =	simm.s32 $0x3;
	[sflag:s13] =	ssyncadd.s32 $0xFFFFFE80  }
0x15: {  	[tilespmem:s14], [sflag:$0x6] =	stream.indirect.gather [hbm4b:s4+s17], $0x1, s10, s17, $0xb8;
	[tilespmem:$0x800] =	vst v63  }
0x16: {  	_ =	swait.ge [sflag:s15], $0x180  }
0x17: {  	[sflag:s15] =	ssyncset.done $0x0  }
0x18: {  	s18 =	simm.s32 $0x600;
	s19 =	simm.s32 $0x4;
	[sflag:s15] =	ssyncadd.s32 $0xFFFFFE80  }
0x19: {  	[tilespmem:s18], [sflag:$0x7] =	stream.indirect.gather [hbm4b:s4+s17], $0x1, s12, s17, $0xb8;
	[tilespmem:$0x800] =	vst v63  }
0x1a: {  	_ =	swait.ge [sflag:s19], $0x80  }
0x1b: {  	[sflag:s19] =	ssyncset.done $0x0  }
0x1c: {  	s20 =	simm.s32 $0x780;
	s21 =	simm.s32 $0x5;
	[sflag:s19] =	ssyncadd.s32 $0xFFFFFF80  }
0x1d: {  	[tilespmem:s20], [sflag:$0x8] =	stream.indirect.gather [hbm4b:s4+s10], $0x1, s31, s10, $0xb8;
	[tilespmem:$0x800] =	vst v63  }
0x1e: {  	_ =	swait.ge [sflag:s21], $0x80  }
0x1f: {  	[sflag:s21] =	ssyncset.done $0x0  }
0x20: {  	s22 =	simm.s32 $0x6;
	s6 =	sadd.s32 s2, s6;
	[sflag:s21] =	ssyncadd.s32 $0xFFFFFF80  }
0x21: {  	[hbm4b:s6+s3] =	stream.linear.scatter [tilespmem:s16], [sflag:$0x9], $0x80, $0x38;
	[tilespmem:$0x800] =	vst v63  }
0x22: {  	_ =	swait.ge [sflag:s22], $0x180  }
0x23: {  	[sflag:s22] =	ssyncset.done $0x0  }
0x24: {  	s24 =	simm.s32 $0x7;
	s23 =	sadd.s32 s2, s8;
	[sflag:s22] =	ssyncadd.s32 $0xFFFFFE80  }
0x25: {  	[hbm4b:s23+s3] =	stream.linear.scatter [tilespmem:s14], [sflag:$0xA], $0x180, $0x38;
	[tilespmem:$0x800] =	vst v63  }
0x26: {  	_ =	swait.ge [sflag:s24], $0x180  }
0x27: {  	[sflag:s24] =	ssyncset.done $0x0  }
0x28: {  	s26 =	simm.s32 $0x8;
	s25 =	sadd.s32 s2, s9;
	[sflag:s24] =	ssyncadd.s32 $0xFFFFFE80  }
0x29: {  	[hbm4b:s25+s3] =	stream.linear.scatter [tilespmem:s18], [sflag:$0xB], $0x180, $0x38;
	[tilespmem:$0x800] =	vst v63  }
0x2a: {  	_ =	swait.ge [sflag:s26], $0x80  }
0x2b: {  	[sflag:s26] =	ssyncset.done $0x0  }
0x2c: {  	s28 =	simm.s32 $0x9;
	s2 =	sadd.s32 s2, s11;
	[sflag:s26] =	ssyncadd.s32 $0xFFFFFF80  }
0x2d: {  	[hbm4b:s2+s3] =	stream.linear.scatter [tilespmem:s20], [sflag:$0xC], $0x80, $0x38;
	[tilespmem:$0x800] =	vst v63  }
0x2e: {  	_ =	swait.ge [sflag:s28], $0x80  }
0x2f: {  	[sflag:s28] =	ssyncset.done $0x0  }
0x30: {  	s29 =	simm.s32 $0xA;
	[sflag:s28] =	ssyncadd.s32 $0xFFFFFF80  }
0x31: {  	_ =	swait.ge [sflag:s29], $0x180  }
0x32: {  	[sflag:s29] =	ssyncset.done $0x0  }
0x33: {  	s30 =	simm.s32 $0xB;
	[sflag:s29] =	ssyncadd.s32 $0xFFFFFE80  }
0x34: {  	_ =	swait.ge [sflag:s30], $0x180  }
0x35: {  	[sflag:s30] =	ssyncset.done $0x0  }
0x36: {  	s31 =	simm.s32 $0xC;
	[sflag:s30] =	ssyncadd.s32 $0xFFFFFE80  }
0x37: {  	_ =	swait.ge [sflag:s31], $0x80  }
0x38: {  	[sflag:s31] =	ssyncset.done $0x0  }
0x39: {  	[sflag:s31] =	ssyncadd.s32 $0xFFFFFF80  }
0x3a: {  	_ =	sfence.sel $0x180000  }
0x3b: {  	[bflag:$0x0] =	sbarrier.arrive $0xFFFF  }
0x3c: {  	p0 =	sne.s32 s1, $0x0;
	_ =	strace $0x90000047  }
0x3d: {  	s0 =	sadd.s32 @!p0 $0x100000, s0;
	[bflag:$0x2] =	sbarrier.arrive $0xFFFF  }
0x3e: {  	[sflag:s0] =	ssyncadd.tile.s32 @!p0 $0x1;
	_ =	shalt  }
.Lfunc_end2:
_tile_overlayer_lowered:
.L_overlay_start_2:
0x3f: {  	(tag) =	ssettag $0x2  }
0x40: {  	s0 =	rddreg [dreg:$0x0];
	s2 =	stileid.u32  }
0x41: {  	s1 =	rddreg [dreg:$0x1];
	p0 =	sne.s32 s2, $0x0  }
0x42: {  	s3 =	rddreg [dreg:$0x2];
	[bflag:$0x3] =	sbarrier.arrive $0xFFFF;
	s2 =	simm.s32 @!p0 $0x1C0D  }
0x43: {  	[timem:s3], [sflag:s2] =	dma.local @!p0 [hbm:s0], s1  }
0x44: {  	s0 =	simm.s32 @!p0 $0xD  }
0x45: {  	_ =	swait.ge @!p0 [sflag:s0], s1  }
0x46: {  	s1 =	ssub.s32 @!p0 $0x0, s1;
	[sflag:s0] =	ssyncset.done @!p0 $0x0  }
0x47: {  	[sflag:s0] =	ssyncadd.s32 @!p0 s1  }
0x48: {  	[bflag:$0x3] =	sbarrier.arrive $0xFFFF  }
0x49: {  	_ =	shalt  }

</sc_bundles>
